<compile_context>
chip_gen: v7x
topology: tpu7x:2x2x1
jax: 0.10.2.dev20260603
libtpu: 0.0.44.dev20260713+nightly
codegen_flags: <defaults>
</compile_context>

<pallas_src>
import functools

import jax
import jax.numpy as jnp
import numpy as np
from jax.experimental import pallas as pl
from jax.experimental.pallas import tpu as pltpu

_L = 2048
_F = 1024
_EB = 256
_TOPK = 22


def _split_bf16(a):
    hi = a.astype(np.float32).astype(jnp.bfloat16)
    lo = (a.astype(np.float32) - np.asarray(hi, np.float32)).astype(jnp.bfloat16)
    return np.asarray(hi), np.asarray(lo)


def _consts():
    t = np.arange(_L)
    f = np.arange(_F)
    ang = 2.0 * np.pi * np.outer(t, f) / _L
    cs = np.concatenate(
        [np.cos(ang), np.sin(ang)], axis=1).astype(np.float32)
    cs_hi, cs_lo = _split_bf16(cs)
    wrow = np.full((1, _F), 2.0 / _L, np.float32)
    wrow[0, 0] = 1.0 / _L
    pmat = (np.arange(_L)[None, :] % 8 == np.arange(8)[:, None]).astype(np.float32)
    return cs_hi, cs_lo, wrow, pmat


def _hi_lo(a):
    hi = a.astype(jnp.bfloat16)
    lo = (a - hi.astype(jnp.float32)).astype(jnp.bfloat16)
    return hi, lo


def _mm3(ahi, alo, bhi, blo, dims):
    dot = functools.partial(
        jax.lax.dot_general,
        dimension_numbers=dims,
        preferred_element_type=jnp.float32,
    )
    return dot(ahi, bhi) + dot(ahi, blo) + dot(alo, bhi)


def _body(q_ref, k_ref, v_ref, cs_hi_ref, cs_lo_ref, w_ref, p_ref,
          agg_ref, corr_ref):
    q = q_ref[0]
    k = k_ref[0]
    cs_hi = cs_hi_ref[...]
    cs_lo = cs_lo_ref[...]
    wrow = w_ref[...]
    sgn = 1.0 - 2.0 * (jax.lax.broadcasted_iota(
        jnp.int32, (1, 8, 1), 1) % 2).astype(jnp.float32)

    cdims = (((0,), (0,)), ((), ()))
    q_hi, q_lo = _hi_lo(q)
    k_hi, k_lo = _hi_lo(k)
    qcs = _mm3(q_hi, q_lo, cs_hi, cs_lo, cdims)
    kcs = _mm3(k_hi, k_lo, cs_hi, cs_lo, cdims)
    qc, qs = qcs[:, :_F], qcs[:, _F:]
    kc, ks = kcs[:, :_F], kcs[:, _F:]

    re = (qc * kc + qs * ks) * wrow
    im = (qc * ks - qs * kc) * wrow
    rim = jnp.concatenate([re, -im], axis=1)
    rim_hi, rim_lo = _hi_lo(rim)
    fdims = (((1,), (1,)), ((), ()))
    corr = _mm3(cs_hi, cs_lo, rim_hi, rim_lo, fdims)

    q8 = jnp.sum(q.reshape(_L // 8, 8, _EB), axis=0)
    k8 = jnp.sum(k.reshape(_L // 8, 8, _EB), axis=0)
    qn = jnp.sum(q8 * sgn[0], axis=0, keepdims=True)
    kn = jnp.sum(k8 * sgn[0], axis=0, keepdims=True)
    nyq = qn * kn * (1.0 / _L)
    corr = (corr.reshape(_L // 8, 8, _EB) + sgn * nyq[None]).reshape(_L, _EB)
    corr_ref[0] = corr

    m_top = jnp.max(corr, axis=0, keepdims=True)
    arr16 = corr.astype(jnp.bfloat16)
    arr4 = arr16.reshape(_L // 16, 16, _EB)
    neg = jnp.asarray(-jnp.inf, jnp.bfloat16)

    def _sel(_, thr):
        cand = jnp.where(arr4 < thr[None], arr4, neg)
        pmax = jnp.max(cand, axis=0)
        tmax = jnp.max(pmax, axis=0, keepdims=True)
        return jnp.broadcast_to(tmax, (16, _EB))

    thr22 = jax.lax.fori_loop(
        0, _TOPK, _sel, jnp.full((16, _EB), jnp.inf, jnp.bfloat16))

    sel = arr16 >= thr22[0:1]
    ex = jnp.exp(jnp.where(sel, corr - m_top, -1e4))
    s_grp = jnp.sum(ex.reshape(_L // 8, 8, _EB), axis=0)
    z = jnp.sum(s_grp, axis=0, keepdims=True)
    s_grp = s_grp / z

    v8 = v_ref[0, 0:8, :]
    v16 = jnp.concatenate([v8, v8], axis=0)
    agg8 = jnp.zeros((8, _EB), jnp.float32)
    for m in range(8):
        agg8 = agg8 + v16[m:m + 8, :] * s_grp[m:m + 1, :]
    agg_et = jax.lax.dot_general(
        agg8.T, p_ref[...],
        dimension_numbers=(((1,), (0,)), ((), ())),
        preferred_element_type=jnp.float32)
    agg_ref[0] = agg_et.reshape(2, _EB // 2, _L)


def kernel(queries, keys, values):
    b, l, h, e = queries.shape
    cs_hi, cs_lo, wrow, pmat = _consts()

    qf = queries.reshape(b, l, h * e)
    kf = keys.reshape(b, l, h * e)
    vf = values.reshape(b, l, h * e)

    grid = (b, h // 2)
    eb = 2 * e
    in_specs = [
        pl.BlockSpec((1, l, eb), lambda i, j: (i, 0, j)),
        pl.BlockSpec((1, l, eb), lambda i, j: (i, 0, j)),
        pl.BlockSpec((1, l, eb), lambda i, j: (i, 0, j)),
        pl.BlockSpec((l, 2 * _F), lambda i, j: (0, 0)),
        pl.BlockSpec((l, 2 * _F), lambda i, j: (0, 0)),
        pl.BlockSpec((1, _F), lambda i, j: (0, 0)),
        pl.BlockSpec((8, l), lambda i, j: (0, 0)),
    ]
    out_specs = [
        pl.BlockSpec((1, 2, e, l), lambda i, j: (i, j, 0, 0)),
        pl.BlockSpec((1, l, eb), lambda i, j: (i, 0, j)),
    ]
    out_shapes = [
        jax.ShapeDtypeStruct((b, h, e, l), jnp.float32),
        jax.ShapeDtypeStruct((b, l, h * e), jnp.float32),
    ]
    agg, corr = pl.pallas_call(
        _body,
        grid=grid,
        in_specs=in_specs,
        out_specs=out_specs,
        out_shape=out_shapes,
        compiler_params=pltpu.CompilerParams(
            dimension_semantics=("parallel", "parallel"),
            vmem_limit_bytes=64 * 1024 * 1024),
    )(qf, kf, vf, cs_hi, cs_lo, wrow, pmat)
    return agg, corr.reshape(b, l, h, e)

# --- scband reference (transcript-rebuilt; emitter-appended) ---
"""Pipeline reference for scband-auto-correlation-46935402610750 (READ-ONLY COPY).

The authoritative reference and input builder live on the scoring server;
editing this copy changes nothing except your own understanding.
"""

import jax, jax.numpy as jnp
import numpy as np

FACTOR = 3

def setup_inputs(seed: int = 0) -> dict:
    key = jax.random.key(seed)
    k1, k2, k3 = jax.random.split(key, 3)
    B, L, H, E = 2, 2048, 16, 128
    queries = jax.random.normal(k1, (B, L, H, E), dtype=jnp.float32)
    keys = jax.random.normal(k2, (B, L, H, E), dtype=jnp.float32)
    values = jax.random.normal(k3, (B, L, H, E), dtype=jnp.float32)
    return {"queries": queries, "keys": keys, "values": values}


def _time_delay_aggregation(values, corr):
    # values: [B, H, C, L], corr: [B, H, C, L]
    batch, head, channels, length = values.shape
    index_init = jnp.broadcast_to(jnp.arange(length, dtype=jnp.int32), (batch, head, channels, length))
    top_k = int(FACTOR * np.log(length))
    weights, delay = jax.lax.top_k(corr, top_k)
    temp_corr = jax.nn.softmax(weights, axis=-1)
    temp_values = jnp.concatenate([values, values], axis=-1)
    delays_agg = jnp.zeros_like(values)
    for i in range(top_k):
        temp_delay = (index_init + delay[..., i][..., None].astype(jnp.int32)) % 8
        pattern = jnp.take_along_axis(temp_values, temp_delay, axis=-1)
        delays_agg = delays_agg + pattern * temp_corr[..., i][..., None]
    return delays_agg


def reference(queries, keys, values):
    B, L, H, E = queries.shape
    # seq == length in this configuration, so truncation is identity
    values = values[:, :L, :, :]
    keys = keys[:, :L, :, :]
    q = jnp.transpose(queries, (0, 2, 3, 1))
    k = jnp.transpose(keys, (0, 2, 3, 1))
    v = jnp.transpose(values, (0, 2, 3, 1))
    query_fft = jnp.fft.rfft(q, axis=-1)
    keys_fft = jnp.fft.rfft(k, axis=-1)
    result = query_fft * jnp.conj(keys_fft)
    corr = jnp.fft.irfft(result, n=L, axis=-1)
    delays_agg = _time_delay_aggregation(v, corr)
    return delays_agg, jnp.transpose(corr, (0, 3, 1, 2))

if __name__ == "__main__":
    import jax
    _d = setup_inputs()
    print(jax.jit(kernel)(*tuple(_d.values())))

</pallas_src>

<mosaic_0001>
module attributes {stable_mosaic.version = 14 : i64} {
  func.func @_body(%arg0: i32, %arg1: i32, %arg2: memref<1x2048x256xf32, #tpu.memory_space<vmem>>, %arg3: memref<1x2048x256xf32, #tpu.memory_space<vmem>>, %arg4: memref<1x2048x256xf32, #tpu.memory_space<vmem>>, %arg5: memref<2048x2048xbf16, #tpu.memory_space<vmem>>, %arg6: memref<2048x2048xbf16, #tpu.memory_space<vmem>>, %arg7: memref<1x1024xf32, #tpu.memory_space<vmem>>, %arg8: memref<8x2048xf32, #tpu.memory_space<vmem>>, %arg9: memref<1x2x128x2048xf32, #tpu.memory_space<vmem>>, %arg10: memref<1x2048x256xf32, #tpu.memory_space<vmem>>) attributes {dimension_semantics = [#tpu.dimension_semantics<parallel>, #tpu.dimension_semantics<parallel>], iteration_bounds = array<i64: 2, 8>, scalar_prefetch = 0 : i64, scratch_operands = 0 : i64, tpu.core_type = #tpu.core_type<tc>, window_params = [{transform_indices = @transform_0, window_bounds = array<i64: 1, 2048, 256>}, {transform_indices = @transform_1, window_bounds = array<i64: 1, 2048, 256>}, {transform_indices = @transform_2, window_bounds = array<i64: 1, 2048, 256>}, {pipeline_mode = #tpu.pipeline_mode<synchronous>, transform_indices = @transform_3, window_bounds = array<i64: 2048, 2048>}, {pipeline_mode = #tpu.pipeline_mode<synchronous>, transform_indices = @transform_4, window_bounds = array<i64: 2048, 2048>}, {pipeline_mode = #tpu.pipeline_mode<synchronous>, transform_indices = @transform_5, window_bounds = array<i64: 1, 1024>}, {pipeline_mode = #tpu.pipeline_mode<synchronous>, transform_indices = @transform_6, window_bounds = array<i64: 8, 2048>}, {transform_indices = @transform_7, window_bounds = array<i64: 1, 2, 128, 2048>}, {transform_indices = @transform_8, window_bounds = array<i64: 1, 2048, 256>}]} {
    %get3A = arith.constant 0 : index
    %get3A_0 = arith.constant 0 : index
    %get3A_1 = arith.constant 0 : index
    %get3A_2 = vector.load %arg2[%get3A, %get3A_0, %get3A_1] : memref<1x2048x256xf32, #tpu.memory_space<vmem>>, vector<1x2048x256xf32>
    %get3A_3 = vector.shape_cast %get3A_2 : vector<1x2048x256xf32> to vector<2048x256xf32>
    %get3A_4 = arith.constant 0 : index
    %get3A_5 = arith.constant 0 : index
    %get3A_6 = arith.constant 0 : index
    %get3A_7 = vector.load %arg3[%get3A_4, %get3A_5, %get3A_6] : memref<1x2048x256xf32, #tpu.memory_space<vmem>>, vector<1x2048x256xf32>
    %get3A_8 = vector.shape_cast %get3A_7 : vector<1x2048x256xf32> to vector<2048x256xf32>
    %get3A_9 = arith.constant 0 : index
    %get3A_10 = arith.constant 0 : index
    %get3A_11 = vector.load %arg5[%get3A_9, %get3A_10] : memref<2048x2048xbf16, #tpu.memory_space<vmem>>, vector<2048x2048xbf16>
    %get3A_12 = arith.constant 0 : index
    %get3A_13 = arith.constant 0 : index
    %get3A_14 = vector.load %arg6[%get3A_12, %get3A_13] : memref<2048x2048xbf16, #tpu.memory_space<vmem>>, vector<2048x2048xbf16>
    %get3A_15 = arith.constant 0 : index
    %get3A_16 = arith.constant 0 : index
    %get3A_17 = vector.load %arg7[%get3A_15, %get3A_16] : memref<1x1024xf32, #tpu.memory_space<vmem>>, vector<1x1024xf32>
    %iota3A = tpu.iota {dimensions = array<i32: 1>} : vector<1x8x1xi32>
    %jit3A = arith.constant 2 : i32
    %eq3A = arith.constant 0 : i32
    %eq3A_18 = arith.cmpi eq, %jit3A, %eq3A : i32
    %jit3A_19 = arith.constant 1 : i32
    %select_n3A = arith.select %eq3A_18, %jit3A_19, %jit3A : i32
    %rem3A = vector.broadcast %select_n3A : i32 to vector<1x8x1xi32>
    %rem3A_20 = arith.remsi %iota3A, %rem3A : vector<1x8x1xi32>
    %ne3A = arith.constant 0 : i32
    %ne3A_21 = vector.broadcast %ne3A : i32 to vector<1x8x1xi32>
    %ne3A_22 = arith.cmpi ne, %rem3A_20, %ne3A_21 : vector<1x8x1xi32>
    %lt3A = arith.constant 0 : i32
    %lt3A_23 = vector.broadcast %lt3A : i32 to vector<1x8x1xi32>
    %lt3A_24 = arith.cmpi slt, %rem3A_20, %lt3A_23 : vector<1x8x1xi32>
    %lt3A_25 = arith.constant 0 : i32
    %lt3A_26 = arith.cmpi slt, %select_n3A, %lt3A_25 : i32
    %ne3A_27 = vector.broadcast %lt3A_26 : i1 to vector<1x8x1xi1>
    %ne3A_28 = vector.broadcast %ne3A_27 : vector<1x8x1xi1> to vector<1x8x1xi1>
    %ne3A_29 = arith.xori %lt3A_24, %ne3A_28 : vector<1x8x1xi1>
    %and3A = arith.andi %ne3A_29, %ne3A_22 : vector<1x8x1xi1>
    %add3A = vector.broadcast %select_n3A : i32 to vector<1x8x1xi32>
    %add3A_30 = arith.addi %rem3A_20, %add3A : vector<1x8x1xi32>
    %select_n3A_31 = arith.select %and3A, %add3A_30, %rem3A_20 : vector<1x8x1xi1>, vector<1x8x1xi32>
    %convert_element_type3A = arith.sitofp %select_n3A_31 : vector<1x8x1xi32> to vector<1x8x1xf32>
    %mul3A = arith.constant 2.000000e+00 : f32
    %mul3A_32 = vector.broadcast %mul3A : f32 to vector<1x8x1xf32>
    %mul3A_33 = arith.mulf %mul3A_32, %convert_element_type3A : vector<1x8x1xf32>
    %sub3A = arith.constant 1.000000e+00 : f32
    %sub3A_34 = vector.broadcast %sub3A : f32 to vector<1x8x1xf32>
    %sub3A_35 = arith.subf %sub3A_34, %mul3A_33 : vector<1x8x1xf32>
    %convert_element_type3A_36 = arith.truncf %get3A_3 : vector<2048x256xf32> to vector<2048x256xbf16>
    %convert_element_type3A_37 = arith.extf %convert_element_type3A_36 : vector<2048x256xbf16> to vector<2048x256xf32>
    %sub3A_38 = arith.subf %get3A_3, %convert_element_type3A_37 : vector<2048x256xf32>
    %convert_element_type3A_39 = arith.truncf %sub3A_38 : vector<2048x256xf32> to vector<2048x256xbf16>
    %convert_element_type3A_40 = arith.truncf %get3A_8 : vector<2048x256xf32> to vector<2048x256xbf16>
    %convert_element_type3A_41 = arith.extf %convert_element_type3A_40 : vector<2048x256xbf16> to vector<2048x256xf32>
    %sub3A_42 = arith.subf %get3A_8, %convert_element_type3A_41 : vector<2048x256xf32>
    %convert_element_type3A_43 = arith.truncf %sub3A_42 : vector<2048x256xf32> to vector<2048x256xbf16>
    %dot_general3A = arith.constant dense<0.000000e+00> : vector<256x2048xf32>
    %dot_general3A_44 = tpu.matmul %convert_element_type3A_36, %get3A_11, %dot_general3A {dimension_numbers = #tpu.dot_dimension_numbers<[0], [0], [1], [1], [0, 1, 1, 1], [], []>, transpose_lhs_hint = false} : vector<2048x256xbf16>, vector<2048x2048xbf16>, vector<256x2048xf32> -> vector<256x2048xf32>
    %dot_general3A_45 = arith.constant dense<0.000000e+00> : vector<256x2048xf32>
    %dot_general3A_46 = tpu.matmul %convert_element_type3A_36, %get3A_14, %dot_general3A_45 {dimension_numbers = #tpu.dot_dimension_numbers<[0], [0], [1], [1], [0, 1, 1, 1], [], []>, transpose_lhs_hint = false} : vector<2048x256xbf16>, vector<2048x2048xbf16>, vector<256x2048xf32> -> vector<256x2048xf32>
    %add3A_47 = arith.addf %dot_general3A_44, %dot_general3A_46 : vector<256x2048xf32>
    %dot_general3A_48 = arith.constant dense<0.000000e+00> : vector<256x2048xf32>
    %dot_general3A_49 = tpu.matmul %convert_element_type3A_39, %get3A_11, %dot_general3A_48 {dimension_numbers = #tpu.dot_dimension_numbers<[0], [0], [1], [1], [0, 1, 1, 1], [], []>, transpose_lhs_hint = false} : vector<2048x256xbf16>, vector<2048x2048xbf16>, vector<256x2048xf32> -> vector<256x2048xf32>
    %add3A_50 = arith.addf %add3A_47, %dot_general3A_49 : vector<256x2048xf32>
    %dot_general3A_51 = arith.constant dense<0.000000e+00> : vector<256x2048xf32>
    %dot_general3A_52 = tpu.matmul %convert_element_type3A_40, %get3A_11, %dot_general3A_51 {dimension_numbers = #tpu.dot_dimension_numbers<[0], [0], [1], [1], [0, 1, 1, 1], [], []>, transpose_lhs_hint = false} : vector<2048x256xbf16>, vector<2048x2048xbf16>, vector<256x2048xf32> -> vector<256x2048xf32>
    %dot_general3A_53 = arith.constant dense<0.000000e+00> : vector<256x2048xf32>
    %dot_general3A_54 = tpu.matmul %convert_element_type3A_40, %get3A_14, %dot_general3A_53 {dimension_numbers = #tpu.dot_dimension_numbers<[0], [0], [1], [1], [0, 1, 1, 1], [], []>, transpose_lhs_hint = false} : vector<2048x256xbf16>, vector<2048x2048xbf16>, vector<256x2048xf32> -> vector<256x2048xf32>
    %add3A_55 = arith.addf %dot_general3A_52, %dot_general3A_54 : vector<256x2048xf32>
    %dot_general3A_56 = arith.constant dense<0.000000e+00> : vector<256x2048xf32>
    %dot_general3A_57 = tpu.matmul %convert_element_type3A_43, %get3A_11, %dot_general3A_56 {dimension_numbers = #tpu.dot_dimension_numbers<[0], [0], [1], [1], [0, 1, 1, 1], [], []>, transpose_lhs_hint = false} : vector<2048x256xbf16>, vector<2048x2048xbf16>, vector<256x2048xf32> -> vector<256x2048xf32>
    %add3A_58 = arith.addf %add3A_55, %dot_general3A_57 : vector<256x2048xf32>
    %slice3A = vector.extract_strided_slice %add3A_50 {offsets = [0, 0], sizes = [256, 1024], strides = [1, 1]} : vector<256x2048xf32> to vector<256x1024xf32>
    %slice3A_59 = vector.extract_strided_slice %add3A_50 {offsets = [0, 1024], sizes = [256, 1024], strides = [1, 1]} : vector<256x2048xf32> to vector<256x1024xf32>
    %slice3A_60 = vector.extract_strided_slice %add3A_58 {offsets = [0, 0], sizes = [256, 1024], strides = [1, 1]} : vector<256x2048xf32> to vector<256x1024xf32>
    %slice3A_61 = vector.extract_strided_slice %add3A_58 {offsets = [0, 1024], sizes = [256, 1024], strides = [1, 1]} : vector<256x2048xf32> to vector<256x1024xf32>
    %mul3A_62 = arith.mulf %slice3A, %slice3A_60 : vector<256x1024xf32>
    %mul3A_63 = arith.mulf %slice3A_59, %slice3A_61 : vector<256x1024xf32>
    %add3A_64 = arith.addf %mul3A_62, %mul3A_63 : vector<256x1024xf32>
    %mul3A_65 = vector.broadcast %get3A_17 : vector<1x1024xf32> to vector<256x1024xf32>
    %mul3A_66 = arith.mulf %add3A_64, %mul3A_65 : vector<256x1024xf32>
    %mul3A_67 = arith.mulf %slice3A, %slice3A_61 : vector<256x1024xf32>
    %mul3A_68 = arith.mulf %slice3A_59, %slice3A_60 : vector<256x1024xf32>
    %sub3A_69 = arith.subf %mul3A_67, %mul3A_68 : vector<256x1024xf32>
    %mul3A_70 = vector.broadcast %get3A_17 : vector<1x1024xf32> to vector<256x1024xf32>
    %mul3A_71 = arith.mulf %sub3A_69, %mul3A_70 : vector<256x1024xf32>
    %neg3A = arith.constant 0.000000e+00 : f32
    %neg3A_72 = vector.broadcast %neg3A : f32 to vector<256x1024xf32>
    %neg3A_73 = arith.subf %neg3A_72, %mul3A_71 : vector<256x1024xf32>
    %concatenate3A = tpu.concatenate %mul3A_66, %neg3A_73 in 1 : vector<256x1024xf32>, vector<256x1024xf32> -> vector<256x2048xf32>
    %convert_element_type3A_74 = arith.truncf %concatenate3A : vector<256x2048xf32> to vector<256x2048xbf16>
    %convert_element_type3A_75 = arith.extf %convert_element_type3A_74 : vector<256x2048xbf16> to vector<256x2048xf32>
    %sub3A_76 = arith.subf %concatenate3A, %convert_element_type3A_75 : vector<256x2048xf32>
    %convert_element_type3A_77 = arith.truncf %sub3A_76 : vector<256x2048xf32> to vector<256x2048xbf16>
    %dot_general3A_78 = arith.constant dense<0.000000e+00> : vector<2048x256xf32>
    %dot_general3A_79 = tpu.matmul %get3A_11, %convert_element_type3A_74, %dot_general3A_78 {dimension_numbers = #tpu.dot_dimension_numbers<[1], [1], [0], [0], [0, 0, 1, 0], [], []>, transpose_lhs_hint = false} : vector<2048x2048xbf16>, vector<256x2048xbf16>, vector<2048x256xf32> -> vector<2048x256xf32>
    %dot_general3A_80 = arith.constant dense<0.000000e+00> : vector<2048x256xf32>
    %dot_general3A_81 = tpu.matmul %get3A_11, %convert_element_type3A_77, %dot_general3A_80 {dimension_numbers = #tpu.dot_dimension_numbers<[1], [1], [0], [0], [0, 0, 1, 0], [], []>, transpose_lhs_hint = false} : vector<2048x2048xbf16>, vector<256x2048xbf16>, vector<2048x256xf32> -> vector<2048x256xf32>
    %add3A_82 = arith.addf %dot_general3A_79, %dot_general3A_81 : vector<2048x256xf32>
    %dot_general3A_83 = arith.constant dense<0.000000e+00> : vector<2048x256xf32>
    %dot_general3A_84 = tpu.matmul %get3A_14, %convert_element_type3A_74, %dot_general3A_83 {dimension_numbers = #tpu.dot_dimension_numbers<[1], [1], [0], [0], [0, 0, 1, 0], [], []>, transpose_lhs_hint = false} : vector<2048x2048xbf16>, vector<256x2048xbf16>, vector<2048x256xf32> -> vector<2048x256xf32>
    %add3A_85 = arith.addf %add3A_82, %dot_general3A_84 : vector<2048x256xf32>
    %reshape3A = vector.shape_cast %get3A_3 : vector<2048x256xf32> to vector<256x8x256xf32>
    %reduce_sum3A = arith.constant dense<0.000000e+00> : vector<8x256xf32>
    %reduce_sum3A_86 = vector.multi_reduction <add>, %reshape3A, %reduce_sum3A [0] : vector<256x8x256xf32> to vector<8x256xf32>
    %reshape3A_87 = vector.shape_cast %get3A_8 : vector<2048x256xf32> to vector<256x8x256xf32>
    %reduce_sum3A_88 = arith.constant dense<0.000000e+00> : vector<8x256xf32>
    %reduce_sum3A_89 = vector.multi_reduction <add>, %reshape3A_87, %reduce_sum3A_88 [0] : vector<256x8x256xf32> to vector<8x256xf32>
    %squeeze3A = vector.shape_cast %sub3A_35 : vector<1x8x1xf32> to vector<8x1xf32>
    %mul3A_90 = vector.broadcast %squeeze3A : vector<8x1xf32> to vector<8x256xf32>
    %mul3A_91 = arith.mulf %reduce_sum3A_86, %mul3A_90 : vector<8x256xf32>
    %reduce_sum3A_92 = arith.constant dense<0.000000e+00> : vector<256xf32>
    %reduce_sum3A_93 = vector.multi_reduction <add>, %mul3A_91, %reduce_sum3A_92 [0] : vector<8x256xf32> to vector<256xf32>
    %broadcast_in_dim3A = vector.shape_cast %reduce_sum3A_93 : vector<256xf32> to vector<1x256xf32>
    %squeeze3A_94 = vector.shape_cast %sub3A_35 : vector<1x8x1xf32> to vector<8x1xf32>
    %mul3A_95 = vector.broadcast %squeeze3A_94 : vector<8x1xf32> to vector<8x256xf32>
    %mul3A_96 = arith.mulf %reduce_sum3A_89, %mul3A_95 : vector<8x256xf32>
    %reduce_sum3A_97 = arith.constant dense<0.000000e+00> : vector<256xf32>
    %reduce_sum3A_98 = vector.multi_reduction <add>, %mul3A_96, %reduce_sum3A_97 [0] : vector<8x256xf32> to vector<256xf32>
    %broadcast_in_dim3A_99 = vector.shape_cast %reduce_sum3A_98 : vector<256xf32> to vector<1x256xf32>
    %mul3A_100 = arith.mulf %broadcast_in_dim3A, %broadcast_in_dim3A_99 : vector<1x256xf32>
    %mul3A_101 = arith.constant 4.8828125E-4 : f32
    %mul3A_102 = vector.broadcast %mul3A_101 : f32 to vector<1x256xf32>
    %mul3A_103 = arith.mulf %mul3A_100, %mul3A_102 : vector<1x256xf32>
    %reshape3A_104 = vector.shape_cast %add3A_85 : vector<2048x256xf32> to vector<256x8x256xf32>
    %broadcast_in_dim3A_105 = vector.shape_cast %mul3A_103 : vector<1x256xf32> to vector<1x1x256xf32>
    %mul3A_106 = vector.broadcast %sub3A_35 : vector<1x8x1xf32> to vector<1x8x256xf32>
    %mul3A_107 = vector.broadcast %broadcast_in_dim3A_105 : vector<1x1x256xf32> to vector<1x8x256xf32>
    %mul3A_108 = arith.mulf %mul3A_106, %mul3A_107 : vector<1x8x256xf32>
    %add3A_109 = vector.broadcast %mul3A_108 : vector<1x8x256xf32> to vector<256x8x256xf32>
    %add3A_110 = arith.addf %reshape3A_104, %add3A_109 : vector<256x8x256xf32>
    %reshape3A_111 = vector.shape_cast %add3A_110 : vector<256x8x256xf32> to vector<2048x256xf32>
    %swap3A = arith.constant 0 : index
    %swap3A_112 = arith.constant 0 : index
    %swap3A_113 = arith.constant 0 : index
    %swap3A_114 = vector.load %arg10[%swap3A, %swap3A_112, %swap3A_113] : memref<1x2048x256xf32, #tpu.memory_space<vmem>>, vector<1x2048x256xf32>
    %swap3A_115 = vector.shape_cast %swap3A_114 : vector<1x2048x256xf32> to vector<2048x256xf32>
    %swap3A_116 = vector.shape_cast %reshape3A_111 : vector<2048x256xf32> to vector<1x2048x256xf32>
    tpu.vector_store %arg10[%swap3A, %swap3A_112, %swap3A_113], %swap3A_116 {strides = array<i32>} : memref<1x2048x256xf32, #tpu.memory_space<vmem>>, vector<1x2048x256xf32>,
    %reduce_max3A = arith.constant dense<0xFF800000> : vector<256xf32>
    %reduce_max3A_117 = vector.multi_reduction <maximumf>, %reshape3A_111, %reduce_max3A [0] : vector<2048x256xf32> to vector<256xf32>
    %broadcast_in_dim3A_118 = vector.shape_cast %reduce_max3A_117 : vector<256xf32> to vector<1x256xf32>
    %convert_element_type3A_119 = arith.truncf %reshape3A_111 : vector<2048x256xf32> to vector<2048x256xbf16>
    %reshape3A_120 = vector.shape_cast %convert_element_type3A_119 : vector<2048x256xbf16> to vector<128x16x256xbf16>
    %broadcast_in_dim3A_121 = arith.constant 0x7F80 : bf16
    %broadcast_in_dim3A_122 = vector.broadcast %broadcast_in_dim3A_121 : bf16 to vector<16x256xbf16>
    %scan3A = arith.constant 0xFF80 : bf16
    %scan3A_123 = arith.constant 0 : i32
    %scan3A_124 = arith.constant 22 : i32
    %scan3A_125 = arith.addi %scan3A_123, %scan3A_124 : i32
    %scan3A_126 = arith.constant 1 : i32
    %scan3A_127 = scf.for %scan3A_203 = %scan3A_123 to %scan3A_125 step %scan3A_126 iter_args(%scan3A_204 = %broadcast_in_dim3A_122) -> (vector<16x256xbf16>)  : i32 {
      %broadcast_in_dim3A_205 = vector.shape_cast %scan3A_204 : vector<16x256xbf16> to vector<1x16x256xbf16>
      %lt3A_206 = vector.broadcast %broadcast_in_dim3A_205 : vector<1x16x256xbf16> to vector<128x16x256xbf16>
      %lt3A_207 = arith.cmpf olt, %reshape3A_120, %lt3A_206 : vector<128x16x256xbf16>
      %broadcast_in_dim3A_208 = vector.broadcast %scan3A : bf16 to vector<128x16x256xbf16>
      %select_n3A_209 = arith.select %lt3A_207, %reshape3A_120, %broadcast_in_dim3A_208 : vector<128x16x256xi1>, vector<128x16x256xbf16>
      %reduce_max3A_210 = arith.constant dense<0xFF80> : vector<16x256xbf16>
      %reduce_max3A_211 = vector.multi_reduction <maximumf>, %select_n3A_209, %reduce_max3A_210 [0] : vector<128x16x256xbf16> to vector<16x256xbf16>
      %reduce_max3A_212 = arith.constant dense<0xFF80> : vector<256xbf16>
      %reduce_max3A_213 = vector.multi_reduction <maximumf>, %reduce_max3A_211, %reduce_max3A_212 [0] : vector<16x256xbf16> to vector<256xbf16>
      %broadcast_in_dim3A_214 = vector.shape_cast %reduce_max3A_213 : vector<256xbf16> to vector<1x256xbf16>
      %broadcast_in_dim3A_215 = vector.shape_cast %broadcast_in_dim3A_214 : vector<1x256xbf16> to vector<1x256xbf16>
      %broadcast_in_dim3A_216 = vector.broadcast %broadcast_in_dim3A_215 : vector<1x256xbf16> to vector<16x256xbf16>
      scf.yield %broadcast_in_dim3A_216 : vector<16x256xbf16>
    }
    %slice3A_128 = vector.extract_strided_slice %scan3A_127 {offsets = [0, 0], sizes = [1, 256], strides = [1, 1]} : vector<16x256xbf16> to vector<1x256xbf16>
    %ge3A = vector.broadcast %slice3A_128 : vector<1x256xbf16> to vector<2048x256xbf16>
    %ge3A_129 = arith.cmpf oge, %convert_element_type3A_119, %ge3A : vector<2048x256xbf16>
    %sub3A_130 = vector.broadcast %broadcast_in_dim3A_118 : vector<1x256xf32> to vector<2048x256xf32>
    %sub3A_131 = arith.subf %reshape3A_111, %sub3A_130 : vector<2048x256xf32>
    %jit3A_132 = arith.constant -1.000000e+04 : f32
    %broadcast_in_dim3A_133 = vector.broadcast %jit3A_132 : f32 to vector<2048x256xf32>
    %select_n3A_134 = arith.select %ge3A_129, %sub3A_131, %broadcast_in_dim3A_133 : vector<2048x256xi1>, vector<2048x256xf32>
    %exp3A = math.exp %select_n3A_134 : vector<2048x256xf32>
    %reshape3A_135 = vector.shape_cast %exp3A : vector<2048x256xf32> to vector<256x8x256xf32>
    %reduce_sum3A_136 = arith.constant dense<0.000000e+00> : vector<8x256xf32>
    %reduce_sum3A_137 = vector.multi_reduction <add>, %reshape3A_135, %reduce_sum3A_136 [0] : vector<256x8x256xf32> to vector<8x256xf32>
    %reduce_sum3A_138 = arith.constant dense<0.000000e+00> : vector<256xf32>
    %reduce_sum3A_139 = vector.multi_reduction <add>, %reduce_sum3A_137, %reduce_sum3A_138 [0] : vector<8x256xf32> to vector<256xf32>
    %broadcast_in_dim3A_140 = vector.shape_cast %reduce_sum3A_139 : vector<256xf32> to vector<1x256xf32>
    %div3A = vector.broadcast %broadcast_in_dim3A_140 : vector<1x256xf32> to vector<8x256xf32>
    %div3A_141 = arith.divf %reduce_sum3A_137, %div3A : vector<8x256xf32>
    %get3A_142 = arith.constant 0 : index
    %get3A_143 = arith.constant 0 : index
    %get3A_144 = arith.constant 0 : index
    %get3A_145 = vector.load %arg4[%get3A_142, %get3A_143, %get3A_144] : memref<1x2048x256xf32, #tpu.memory_space<vmem>>, vector<1x8x256xf32>
    %get3A_146 = vector.shape_cast %get3A_145 : vector<1x8x256xf32> to vector<8x256xf32>
    %concatenate3A_147 = tpu.concatenate %get3A_146, %get3A_146 in 0 : vector<8x256xf32>, vector<8x256xf32> -> vector<16x256xf32>
    %broadcast_in_dim3A_148 = arith.constant 0.000000e+00 : f32
    %broadcast_in_dim3A_149 = vector.broadcast %broadcast_in_dim3A_148 : f32 to vector<8x256xf32>
    %slice3A_150 = vector.extract_strided_slice %concatenate3A_147 {offsets = [0, 0], sizes = [8, 256], strides = [1, 1]} : vector<16x256xf32> to vector<8x256xf32>
    %slice3A_151 = vector.extract_strided_slice %div3A_141 {offsets = [0, 0], sizes = [1, 256], strides = [1, 1]} : vector<8x256xf32> to vector<1x256xf32>
    %mul3A_152 = vector.broadcast %slice3A_151 : vector<1x256xf32> to vector<8x256xf32>
    %mul3A_153 = arith.mulf %slice3A_150, %mul3A_152 : vector<8x256xf32>
    %add3A_154 = arith.addf %broadcast_in_dim3A_149, %mul3A_153 : vector<8x256xf32>
    %slice3A_155 = vector.extract_strided_slice %concatenate3A_147 {offsets = [1, 0], sizes = [8, 256], strides = [1, 1]} : vector<16x256xf32> to vector<8x256xf32>
    %slice3A_156 = vector.extract_strided_slice %div3A_141 {offsets = [1, 0], sizes = [1, 256], strides = [1, 1]} : vector<8x256xf32> to vector<1x256xf32>
    %mul3A_157 = vector.broadcast %slice3A_156 : vector<1x256xf32> to vector<8x256xf32>
    %mul3A_158 = arith.mulf %slice3A_155, %mul3A_157 : vector<8x256xf32>
    %add3A_159 = arith.addf %add3A_154, %mul3A_158 : vector<8x256xf32>
    %slice3A_160 = vector.extract_strided_slice %concatenate3A_147 {offsets = [2, 0], sizes = [8, 256], strides = [1, 1]} : vector<16x256xf32> to vector<8x256xf32>
    %slice3A_161 = vector.extract_strided_slice %div3A_141 {offsets = [2, 0], sizes = [1, 256], strides = [1, 1]} : vector<8x256xf32> to vector<1x256xf32>
    %mul3A_162 = vector.broadcast %slice3A_161 : vector<1x256xf32> to vector<8x256xf32>
    %mul3A_163 = arith.mulf %slice3A_160, %mul3A_162 : vector<8x256xf32>
    %add3A_164 = arith.addf %add3A_159, %mul3A_163 : vector<8x256xf32>
    %slice3A_165 = vector.extract_strided_slice %concatenate3A_147 {offsets = [3, 0], sizes = [8, 256], strides = [1, 1]} : vector<16x256xf32> to vector<8x256xf32>
    %slice3A_166 = vector.extract_strided_slice %div3A_141 {offsets = [3, 0], sizes = [1, 256], strides = [1, 1]} : vector<8x256xf32> to vector<1x256xf32>
    %mul3A_167 = vector.broadcast %slice3A_166 : vector<1x256xf32> to vector<8x256xf32>
    %mul3A_168 = arith.mulf %slice3A_165, %mul3A_167 : vector<8x256xf32>
    %add3A_169 = arith.addf %add3A_164, %mul3A_168 : vector<8x256xf32>
    %slice3A_170 = vector.extract_strided_slice %concatenate3A_147 {offsets = [4, 0], sizes = [8, 256], strides = [1, 1]} : vector<16x256xf32> to vector<8x256xf32>
    %slice3A_171 = vector.extract_strided_slice %div3A_141 {offsets = [4, 0], sizes = [1, 256], strides = [1, 1]} : vector<8x256xf32> to vector<1x256xf32>
    %mul3A_172 = vector.broadcast %slice3A_171 : vector<1x256xf32> to vector<8x256xf32>
    %mul3A_173 = arith.mulf %slice3A_170, %mul3A_172 : vector<8x256xf32>
    %add3A_174 = arith.addf %add3A_169, %mul3A_173 : vector<8x256xf32>
    %slice3A_175 = vector.extract_strided_slice %concatenate3A_147 {offsets = [5, 0], sizes = [8, 256], strides = [1, 1]} : vector<16x256xf32> to vector<8x256xf32>
    %slice3A_176 = vector.extract_strided_slice %div3A_141 {offsets = [5, 0], sizes = [1, 256], strides = [1, 1]} : vector<8x256xf32> to vector<1x256xf32>
    %mul3A_177 = vector.broadcast %slice3A_176 : vector<1x256xf32> to vector<8x256xf32>
    %mul3A_178 = arith.mulf %slice3A_175, %mul3A_177 : vector<8x256xf32>
    %add3A_179 = arith.addf %add3A_174, %mul3A_178 : vector<8x256xf32>
    %slice3A_180 = vector.extract_strided_slice %concatenate3A_147 {offsets = [6, 0], sizes = [8, 256], strides = [1, 1]} : vector<16x256xf32> to vector<8x256xf32>
    %slice3A_181 = vector.extract_strided_slice %div3A_141 {offsets = [6, 0], sizes = [1, 256], strides = [1, 1]} : vector<8x256xf32> to vector<1x256xf32>
    %mul3A_182 = vector.broadcast %slice3A_181 : vector<1x256xf32> to vector<8x256xf32>
    %mul3A_183 = arith.mulf %slice3A_180, %mul3A_182 : vector<8x256xf32>
    %add3A_184 = arith.addf %add3A_179, %mul3A_183 : vector<8x256xf32>
    %slice3A_185 = vector.extract_strided_slice %concatenate3A_147 {offsets = [7, 0], sizes = [8, 256], strides = [1, 1]} : vector<16x256xf32> to vector<8x256xf32>
    %slice3A_186 = vector.extract_strided_slice %div3A_141 {offsets = [7, 0], sizes = [1, 256], strides = [1, 1]} : vector<8x256xf32> to vector<1x256xf32>
    %mul3A_187 = vector.broadcast %slice3A_186 : vector<1x256xf32> to vector<8x256xf32>
    %mul3A_188 = arith.mulf %slice3A_185, %mul3A_187 : vector<8x256xf32>
    %add3A_189 = arith.addf %add3A_184, %mul3A_188 : vector<8x256xf32>
    %transpose3A = tpu.transpose %add3A_189, [1, 0] : vector<8x256xf32> -> vector<256x8xf32>
    %get3A_190 = arith.constant 0 : index
    %get3A_191 = arith.constant 0 : index
    %get3A_192 = vector.load %arg8[%get3A_190, %get3A_191] : memref<8x2048xf32, #tpu.memory_space<vmem>>, vector<8x2048xf32>
    %dot_general3A_193 = arith.constant dense<0.000000e+00> : vector<256x2048xf32>
    %dot_general3A_194 = tpu.matmul %transpose3A, %get3A_192, %dot_general3A_193 {dimension_numbers = #tpu.dot_dimension_numbers<[1], [0], [0], [1], [0, 0, 1, 1], [], []>, transpose_lhs_hint = false} : vector<256x8xf32>, vector<8x2048xf32>, vector<256x2048xf32> -> vector<256x2048xf32>
    %reshape3A_195 = vector.shape_cast %dot_general3A_194 : vector<256x2048xf32> to vector<2x128x2048xf32>
    %swap3A_196 = arith.constant 0 : index
    %swap3A_197 = arith.constant 0 : index
    %swap3A_198 = arith.constant 0 : index
    %swap3A_199 = arith.constant 0 : index
    %swap3A_200 = vector.load %arg9[%swap3A_196, %swap3A_197, %swap3A_198, %swap3A_199] : memref<1x2x128x2048xf32, #tpu.memory_space<vmem>>, vector<1x2x128x2048xf32>
    %swap3A_201 = vector.shape_cast %swap3A_200 : vector<1x2x128x2048xf32> to vector<2x128x2048xf32>
    %swap3A_202 = vector.shape_cast %reshape3A_195 : vector<2x128x2048xf32> to vector<1x2x128x2048xf32>
    tpu.vector_store %arg9[%swap3A_196, %swap3A_197, %swap3A_198, %swap3A_199], %swap3A_202 {strides = array<i32>} : memref<1x2x128x2048xf32, #tpu.memory_space<vmem>>, vector<1x2x128x2048xf32>,
    return
  }
  func.func @transform_0(%arg0: i32, %arg1: i32) -> (i32, i32, i32) {
    %c0_i32 = arith.constant 0 : i32
    %c0_i32_0 = arith.constant 0 : i32
    return %arg0, %c0_i32, %arg1 : i32, i32, i32
  }
  func.func @transform_1(%arg0: i32, %arg1: i32) -> (i32, i32, i32) {
    %c0_i32 = arith.constant 0 : i32
    %c0_i32_0 = arith.constant 0 : i32
    return %arg0, %c0_i32, %arg1 : i32, i32, i32
  }
  func.func @transform_2(%arg0: i32, %arg1: i32) -> (i32, i32, i32) {
    %c0_i32 = arith.constant 0 : i32
    %c0_i32_0 = arith.constant 0 : i32
    return %arg0, %c0_i32, %arg1 : i32, i32, i32
  }
  func.func @transform_3(%arg0: i32, %arg1: i32) -> (i32, i32) {
    %c0_i32 = arith.constant 0 : i32
    %c0_i32_0 = arith.constant 0 : i32
    %c0_i32_1 = arith.constant 0 : i32
    return %c0_i32, %c0_i32_0 : i32, i32
  }
  func.func @transform_4(%arg0: i32, %arg1: i32) -> (i32, i32) {
    %c0_i32 = arith.constant 0 : i32
    %c0_i32_0 = arith.constant 0 : i32
    %c0_i32_1 = arith.constant 0 : i32
    return %c0_i32, %c0_i32_0 : i32, i32
  }
  func.func @transform_5(%arg0: i32, %arg1: i32) -> (i32, i32) {
    %c0_i32 = arith.constant 0 : i32
    %c0_i32_0 = arith.constant 0 : i32
    %c0_i32_1 = arith.constant 0 : i32
    return %c0_i32, %c0_i32_0 : i32, i32
  }
  func.func @transform_6(%arg0: i32, %arg1: i32) -> (i32, i32) {
    %c0_i32 = arith.constant 0 : i32
    %c0_i32_0 = arith.constant 0 : i32
    %c0_i32_1 = arith.constant 0 : i32
    return %c0_i32, %c0_i32_0 : i32, i32
  }
  func.func @transform_7(%arg0: i32, %arg1: i32) -> (i32, i32, i32, i32) {
    %c0_i32 = arith.constant 0 : i32
    %c0_i32_0 = arith.constant 0 : i32
    %c0_i32_1 = arith.constant 0 : i32
    return %arg0, %arg1, %c0_i32, %c0_i32_0 : i32, i32, i32, i32
  }
  func.func @transform_8(%arg0: i32, %arg1: i32) -> (i32, i32, i32) {
    %c0_i32 = arith.constant 0 : i32
    %c0_i32_0 = arith.constant 0 : i32
    return %arg0, %c0_i32, %arg1 : i32, i32, i32
  }
}

</mosaic_0001>

<sc_bundles>
// kernel: sparse-core-data-format-call.cloned.1.call-start
scs
called_computation_lowered:
.L_overlay_start_0:
0x0: {  	s2 =	sld [smem:$0x3FD9]  }
0x1: {  	s3 =	sld [smem:$0x3FFE];
	_ =	sdelay $0x1  }
0x2: {  	s1 =	srdreg.scid  }
0x3: {  	s0 =	sand.u32 $0x1, s1  }
0x4: {  	s15 =	sshll.u32 s0, $0xA;
	s2 =	sadd.s32 s3, s2  }
0x5: {  	s2 =	sadd.s32 s2, s15  }
0x6: {  	[smem:$0x3FC5] =	sst s2  }
0x7: {  	_ = 	snop  }
0x8: {  	s2 =	sld [smem:$0x3FD0];
	_ =	sdelay $0x2  }
0x9: {  	s16 =	simm.s32 $0xA;
	s4 =	simm.s32 $0x10  }
0xa: {  	[smem:s4], [sflag:s16] =	dma.local [hbm:s2], $0x1  }
0xb: {  	_ =	swait.eq [sflag:s16], $0x1  }
0xc: {  	[sflag:s16] =	ssyncset.done $0x0  }
0xd: {  	[sflag:s16] =	ssyncadd.s32 $0xFFFFFFFF  }
0xe: {  	s17 =	sld [smem:$0x11];
	(tm) =	ssettm $0x1  }
0xf: {  	s18 =	sld [smem:$0x3FFB];
	_ =	sdelay $0x3  }
0x10: {  	_ =	strace s18  }
0x11: {  	s3 =	sld [smem:$0x3FFC];
	_ =	sdelay $0x3  }
0x12: {  	_ =	strace s3  }
0x13: {  	s3 =	sld [smem:$0x3FFD];
	_ =	sdelay $0x3  }
0x14: {  	_ =	strace s3  }
0x15: {  	_ =	strace $0x8FFFFFFF  }
0x16: {  	s19 =	sld [smem:$0x3FDB];
	_ =	sdelay $0x1  }
0x17: {  	s20 =	simm.s32 $_scs_section_size  }
0x18: {  	s5 =	simm.s32 $_size__tile_overlayer_lowered;
	s6 =	simm.s32 $_tile_overlayer_lowered  }
0x19: {  	s23 =	simm.s32 $0x1BFF;
	s22 =	sshll.u32 s6, $0x1;
	s3 =	sadd.s32 s20, s19  }
0x1a: {  	s7 =	simm.s32 $0x0;
	s21 =	sshll.u32 s5, $0x1;
	s5 =	sadd.s32 s22, s3  }
0x1b: {  	[timem:s7], [sflag:s23] =	dma.local [hbm:s5], s21  }
0x1c: {  	_ =	swait.ge [sflag:s23], s21  }
0x1d: {  	s4 =	ssub.s32 $0x0, s21;
	[sflag:s23] =	ssyncset.done $0x0  }
0x1e: {  	[sflag:s23] =	ssyncadd.s32 s4;
	_ =	sdelay $0x1  }
0x1f: {  	s24 =	simm.s32 $0x1B8B  }
0x20: {  	_ =	swait.ge [sflag:s24], $0x1  }
0x21: {  	[sflag:s24] =	ssyncset.done $0x0  }
0x22: {  	s26 =	simm.s32 $0x1B8E;
	s25 =	sld [smem:$0x3FFE];
	[sflag:s24] =	ssyncadd.s32 $0xFFFFFFFF  }
0x23: {  	s27 =	simm.s32 $execute0_lowered;
	[smem:$0x3FD2] =	sst s26  }
0x24: {  	s5 =	sshll.u32 s27, $0x1;
	_ =	strace $0x80000046;
	[dreg:$0x1] =	wrdreg $0xFFFFFFFF  }
0x25: {  	s28 =	simm.s32 $_size_execute0_lowered;
	s3 =	sadd.s32 s3, s5;
	[dreg:$0x0] =	wrdreg $0x0  }
0x26: {  	s5 =	sshll.u32 s28, $0x1;
	[dreg:$0x2] =	wrdreg s3  }
0x27: {  	[dreg:$0x3] =	wrdreg s5  }
0x28: {  	[dreg:$0x4] =	wrdreg $0xC0  }
0x29: {  	_ =	task [dreg:s7], $0x5FFFF  }
0x2a: {  	[dreg:$0x1] =	wrdreg $0xFFFFFFFF  }
0x2b: {  	[dreg:$0x0] =	wrdreg $0x60  }
0x2c: {  	[dreg:$0x2] =	wrdreg s25  }
0x2d: {  	[dreg:$0x3] =	wrdreg s17  }
0x2e: {  	[dreg:$0x4] =	wrdreg $0x9  }
0x2f: {  	_ =	task.clear_ibuf [dreg:s7], $0x5FFFF;
	_ =	strace $0x90000046  }
0x30: {  	s29 =	simm.s32 $0x9;
	_ =	strace $0x80000048  }
0x31: {  	_ =	swait.ge [sflag:s29], $0x1  }
0x32: {  	[sflag:s29] =	ssyncadd.s32 $0xFFFFFFFF  }
0x33: {  	_ =	strace $0x90000048  }
0x34: {  	_ =	sfence  }
0x35: {  	s30 =	sld [smem:$0x0];
	_ =	sdelay $0x2  }
0x36: {  	s31 =	sshll.u32 s1, $0xD;
	s1 =	sshrl.u32 s1, $0x2  }
0x37: {  	s3 =	sand.u32 $0x4000, s31;
	s1 =	sadd.s32 s1, s30  }
0x38: {  	s0 =	sor.u32 s3, s0;
	s1 =	sshll.u32 s1, $0x11  }
0x39: {  	s0 =	sor.u32 s1, s0  }
0x3a: {  	s0 =	sadd.s32 $0x8F2B, s0  }
0x3b: {  	[sflag:s0] =	ssyncadd.remote.s32 $0x1  }
0x3c: {  	_ =	sfence.sel $0xFFFF  }
0x3d: {  	[dreg:$0x0] =	wrdreg $0xFFFFFFFF;
	(pc) =	sbr.abs _section_cstart, $3  }
0x3e: {  	[dreg:$0x1] =	wrdreg $0xFFFFFFFF  }
0x3f: {  	_ =	task.clear_ibuf [dreg:s7], $0x2FFFF;
	_ =	strace $0x9FFFFFFF  }
0x40: {  	(tm) =	ssettm $0x7FFFFFFF  }
0x41: {  	_ =	shalt  }
tec
execute0_lowered:
.L_overlay_start_1:
0x0: {  	(tag) =	ssettag $0x1  }
0x1: {  	s1 =	rddreg [dreg:$0x0]  }
0x2: {  	s2 =	rddreg [dreg:$0x1]  }
0x3: {  	s0 =	rddreg [dreg:$0x2];
	_ =	strace $0x80000047;
	s4 =	srdreg.scid  }
.Ltmp0:
0x4: {  	s6 =	simm.s32 $0x2;
	p0 =	por $0x0, $0x0;
	(pc) =	sbr.rel .LBB1_1-.Ltmp0, $4  }
0x5: {  	s9 =	simm.s32 $0x0;
	s3 =	sadd.s32 $0x280600, s1;
	s5 =	sshll.u32 s4, $0x4  }
0x6: {  	s1 =	stileid.u32;
	s4 =	simm.s32 $0x1;
	s5 =	sand.u32 $0x10, s5  }
0x7: {  	s7 =	simm.s32 $0x0;
	[sflag:s4] =	ssyncpa.u1 $0x0;
	s5 =	sor.u32 s1, s5  }
0x8: {  	[sflag:s6] =	ssyncpa.u1 $0x0;
	s6 =	simm.s32 $0x0;
	s8 =	smov.u32 s5  }
.LBB1_7:
0x9: {  	s11 =	sadd.s32 $0x20, s8  }
0xa: {  	p1 =	slt.u32 s7, $0x2;
	s7 =	sadd.s32 $0x1, s7;
	p2 =	sgt.s32 s11, $0x1FF  }
0xb: {  	s11 =	smov.u32 @p2 s5;
	p2 =	sne.s32 s7, $0x12  }
.Ltmp1:
0xc: {  	_ = 	snop;
	(pc) =	sbr.rel @!p2 .LBB1_8-.Ltmp1, $4  }
0xd: {  	s10 =	simm.s32 @!p1 $0x2  }
0xe: {  	_ =	swait.ge @!p1 [sflag:s10], $0x4000  }
0xf: {  	s9 =	smov.u32 s8;
	[sflag:s10] =	ssyncset.done @!p1 $0x0  }
0x10: {  	p0 =	por !p0, !p0;
	s8 =	smov.u32 s11;
	[sflag:s10] =	ssyncadd.s32 @!p1 $0xFFFFC000  }
.LBB1_1:
0x11: {  	p1 =	sgt.u32 s7, $0xF  }
0x12: {  	s10 =	sxor.u32 @!p1 $0xFFFFFFFF, s7  }
0x13: {  	s11 =	sshll.u32 @!p1 s8, $0xB;
	s10 =	sshll.u32 @!p1 s10, $0xE  }
0x14: {  	s12 =	simm.s32 @!p1 $0x0;
	s11 =	sadd.s32 @!p1 s3, s11;
	s10 =	sand.u32 @!p1 $0x4000, s10  }
0x15: {  	[tilespmem:s10], [sflag:$0x1] =	stream.linear.gather @!p1 [hbm4b:s11+s12], $0x4000, $0x38;
	[tilespmem:$0x10000] =	vst v63  }
0x16: {  	p1 =	seq.s32 s7, $0x0  }
0x17: {  	p2 =	seq.s32 @!p1 s7, $0x11  }
0x18: {  	p1 =	por p1, p2  }
.Ltmp2:
0x19: {  	_ = 	snop;
	(pc) =	sbr.rel @p1 .LBB1_7-.Ltmp2, $1  }
0x1a: {  	_ =	sdelay $0x3  }
0x1b: {  	s10 =	simm.s32 $0x1;
	_ =	swait.ge [sflag:s4], $0x4000;
	s12 =	sshll.u32 s7, $0xE  }
0x1c: {  	s13 =	simm.s32 $0x0;
	s10 =	simm.s32 @!p0 $0x0;
	[sflag:s4] =	ssyncset.done $0x0  }
0x1d: {  	s12 =	sand.u32 $0x4000, s12;
	s11 =	sshll.u32 s10, $0xE;
	[sflag:s4] =	ssyncadd.s32 $0xFFFFC000  }
0x1e: {  	s12 =	sor.u32 $0x8000, s12;
	s10 =	sor.u32 $0x8040, s11;
	s11 =	sor.u32 $0x40, s11  }
.LBB1_3:
0x1f: {  	v0 =	vmov s11;
	_ =	sdelay $0x3  }
0x20: {  	s15 =	simm.s32 $0x0  }
0x21: {  	v6 =	vld.idx.msk [tilespmem:v0+s15+$0x30 ss:$0x1], $0xffff  }
0x22: {  	v7 =	vld.idx.msk [tilespmem:v0+s15+$0xFFFFFFC0 ss:$0x1], $0xffff  }
0x23: {  	v5 =	vld.idx.msk [tilespmem:v0+s15+$0xFFFFFFD0 ss:$0x1], $0xffff  }
0x24: {  	v4 =	vld.idx.msk [tilespmem:v0+s15+$0xFFFFFFE0 ss:$0x1], $0xffff  }
0x25: {  	v3 =	vld.idx.msk [tilespmem:v0+s15+$0xFFFFFFF0 ss:$0x1], $0xffff  }
0x26: {  	v1 =	vld.idx.msk [tilespmem:v0+s15+$0x0 ss:$0x1], $0xffff  }
0x27: {  	v2 =	vld.idx.msk [tilespmem:v0+s15+$0x10 ss:$0x1], $0xffff;
	[tilespmem:s10+$0x30] =	vst v6  }
0x28: {  	s14 =	simm.s32 $0x80;
	s16 =	simm.s32 $0x400;
	[tilespmem:s10+$0xFFFFFFC0] =	vst v7;
	v6 =	vld.idx.msk [tilespmem:v0+s15+$0x20 ss:$0x1], $0xffff;
	s15 =	smov.u32 s10  }
.LBB1_4:
0x29: {  	p1 =	sne.s32 s16, $0xE00;
	v7 =	vld.idx.msk [tilespmem:v0+s14+$0x30 ss:$0x1], $0xffff;
	[tilespmem:s15+$0xFFFFFFD0] =	vst v5  }
0x2a: {  	v8 =	vld.idx.msk [tilespmem:v0+s14+$0xFFFFFFC0 ss:$0x1], $0xffff;
	[tilespmem:s15+$0xFFFFFFE0] =	vst v4  }
0x2b: {  	v5 =	vld.idx.msk [tilespmem:v0+s14+$0xFFFFFFD0 ss:$0x1], $0xffff;
	[tilespmem:s15+$0xFFFFFFF0] =	vst v3  }
.Ltmp3:
0x2c: {  	v4 =	vld.idx.msk [tilespmem:v0+s14+$0xFFFFFFE0 ss:$0x1], $0xffff;
	[tilespmem:s15+$0x0] =	vst v1;
	(pc) =	sbr.rel @p1 .LBB1_4-.Ltmp3, $4  }
0x2d: {  	v3 =	vld.idx.msk [tilespmem:v0+s14+$0xFFFFFFF0 ss:$0x1], $0xffff;
	[tilespmem:s15+$0x10] =	vst v2  }
0x2e: {  	v1 =	vld.idx.msk [tilespmem:v0+s14+$0x0 ss:$0x1], $0xffff;
	[tilespmem:s15+$0x20] =	vst v6;
	s15 =	sadd.s32 $0x800, s15  }
0x2f: {  	v2 =	vld.idx.msk [tilespmem:v0+s14+$0x10 ss:$0x1], $0xffff;
	[tilespmem:s15+$0x30] =	vst v7  }
0x30: {  	[tilespmem:s15+$0xFFFFFFC0] =	vst v8;
	v6 =	vld.idx.msk [tilespmem:v0+s14+$0x20 ss:$0x1], $0xffff;
	s14 =	sshra.s32 s16, $0x2;
	s16 =	sadd.s32 $0x200, s16  }
0x31: {  	_ =	sdelay $0x2  }
0x32: {  	[tilespmem:s15+$0xFFFFFFD0] =	vst v5  }
0x33: {  	v56 =	vld.idx.msk [tilespmem:v0+s14+$0x30 ss:$0x1], $0xffff;
	[tilespmem:s15+$0xFFFFFFE0] =	vst v4  }
0x34: {  	v57 =	vld.idx.msk [tilespmem:v0+s14+$0xFFFFFFC0 ss:$0x1], $0xffff;
	[tilespmem:s15+$0xFFFFFFF0] =	vst v3  }
0x35: {  	v58 =	vld.idx.msk [tilespmem:v0+s14+$0xFFFFFFD0 ss:$0x1], $0xffff;
	[tilespmem:s15+$0x0] =	vst v1  }
0x36: {  	v59 =	vld.idx.msk [tilespmem:v0+s14+$0xFFFFFFE0 ss:$0x1], $0xffff;
	[tilespmem:s15+$0x10] =	vst v2  }
0x37: {  	v60 =	vld.idx.msk [tilespmem:v0+s14+$0xFFFFFFF0 ss:$0x1], $0xffff;
	s31 =	sadd.s32 $0x800, s15;
	[tilespmem:s15+$0x20] =	vst v6  }
0x38: {  	v61 =	vld.idx.msk [tilespmem:v0+s14+$0x0 ss:$0x1], $0xffff;
	[tilespmem:s31+$0x30] =	vst v56  }
0x39: {  	v62 =	vld.idx.msk [tilespmem:v0+s14+$0x10 ss:$0x1], $0xffff;
	s13 =	sadd.s32 $0x1, s13;
	[tilespmem:s31+$0xFFFFFFC0] =	vst v57  }
0x3a: {  	v63 =	vld.idx.msk [tilespmem:v0+s14+$0x20 ss:$0x1], $0xffff;
	p1 =	sne.s32 s13, $0x10;
	[tilespmem:s31+$0xFFFFFFD0] =	vst v58  }
.Ltmp4:
0x3b: {  	[tilespmem:s31+$0xFFFFFFE0] =	vst v59;
	(pc) =	sbr.rel @p1 .LBB1_3-.Ltmp4, $4  }
0x3c: {  	[tilespmem:s31+$0xFFFFFFF0] =	vst v60  }
0x3d: {  	[tilespmem:s31+$0x0] =	vst v61  }
0x3e: {  	[tilespmem:s31+$0x10] =	vst v62  }
0x3f: {  	s10 =	sadd.s32 $0x80, s10;
	s11 =	sadd.s32 $0x400, s11;
	[tilespmem:s31+$0x20] =	vst v63  }
.Ltmp5:
0x40: {  	(pc) =	sbr.rel .LBB1_7-.Ltmp5, $4  }
0x41: {  	_ = 	snop  }
0x42: {  	s9 =	sshll.u32 s9, $0xB  }
0x43: {  	s9 =	sadd.s32 s2, s9  }
0x44: {  	[hbm4b:s9+s6] =	stream.linear.scatter [tilespmem:s12], [sflag:$0x2], $0x4000, $0x38;
	[tilespmem:$0x10000] =	vst v63  }
.LBB1_8:
0x45: {  	_ =	sfence.sel $0x180000  }
0x46: {  	s2 =	simm.s32 $0x1;
	[bflag:$0x0] =	sbarrier.arrive $0xFFFF  }
0x47: {  	s31 =	simm.s32 $0x2;
	[sflag:s2] =	ssyncpa.u1 $0x1  }
0x48: {  	[sflag:s31] =	ssyncpa.u1 $0x1  }
0x49: {  	p0 =	sne.s32 s1, $0x0;
	_ =	strace $0x90000047  }
0x4a: {  	s0 =	sadd.s32 @!p0 $0x100000, s0;
	[bflag:$0x2] =	sbarrier.arrive $0xFFFF  }
0x4b: {  	[sflag:s0] =	ssyncadd.tile.s32 @!p0 $0x1;
	_ =	shalt  }
.Lfunc_end1:
_tile_overlayer_lowered:
.L_overlay_start_2:
0x4c: {  	(tag) =	ssettag $0x2  }
0x4d: {  	s0 =	rddreg [dreg:$0x0];
	s2 =	stileid.u32  }
0x4e: {  	s1 =	rddreg [dreg:$0x1];
	p0 =	sne.s32 s2, $0x0  }
0x4f: {  	s3 =	rddreg [dreg:$0x2];
	[bflag:$0x3] =	sbarrier.arrive $0xFFFF;
	s2 =	simm.s32 @!p0 $0x1C01  }
0x50: {  	[timem:s3], [sflag:s2] =	dma.local @!p0 [hbm:s0], s1  }
0x51: {  	s0 =	simm.s32 @!p0 $0x1  }
0x52: {  	_ =	swait.ge @!p0 [sflag:s0], s1  }
0x53: {  	s1 =	ssub.s32 @!p0 $0x0, s1;
	[sflag:s0] =	ssyncset.done @!p0 $0x0  }
0x54: {  	[sflag:s0] =	ssyncadd.s32 @!p0 s1  }
0x55: {  	[bflag:$0x3] =	sbarrier.arrive $0xFFFF  }
0x56: {  	_ =	shalt  }

</sc_bundles>
